<compile_context>
chip_gen: v7x
topology: tpu7x:2x2x1
jax: 0.10.2.dev20260603
libtpu: 0.0.44.dev20260713+nightly
codegen_flags: <defaults>
</compile_context>

<pallas_src>
import functools

import jax
import jax.numpy as jnp
from jax import lax
from jax.experimental import pallas as pl
from jax.experimental.pallas import tpu as pltpu
from jax.experimental.pallas import tpu_sc as plsc

N_DISTS = 100000
N_BITS = 16
HIDDEN = 2 * N_BITS
D = HIDDEN * N_BITS
B = 16384
NC, NS = 2, 16
NW = NC * NS
FPW = D // NW
SEG = 2048
XMAIN = B - SEG
L = 16


def _make_gather():
    mesh = plsc.VectorSubcoreMesh(core_axis_name="c", subcore_axis_name="s")

    @functools.partial(
        pl.kernel,
        mesh=mesh,
        out_type=[
            jax.ShapeDtypeStruct((D, B), jnp.float32),
            jax.ShapeDtypeStruct((HIDDEN, B), jnp.float32),
        ],
        scratch_types=[
            pltpu.VMEM((XMAIN,), jnp.int32),
            pltpu.VMEM((SEG,), jnp.float32),
            pltpu.VMEM((N_DISTS,), jnp.float32),
            pltpu.VMEM((XMAIN,), jnp.float32),
            pltpu.SemaphoreType.DMA,
            pltpu.SemaphoreType.DMA,
            pltpu.SemaphoreType.DMA,
        ],
        compiler_params=pltpu.CompilerParams(needs_layout_passes=False),
    )
    def gather_kernel(x_hbm, xf_hbm, wst_hbm, rst_hbm, w_out, r_out,
                      x_v, x7, rowbuf, obuf, sm, st, sx):
        wid = lax.axis_index("s") * NC + lax.axis_index("c")
        row0 = wid * FPW

        pltpu.sync_copy(x_hbm.at[pl.ds(0, XMAIN)], x_v)
        pltpu.async_copy(obuf, w_out.at[row0, pl.ds(0, XMAIN)], sm)
        pltpu.async_copy(obuf.at[pl.ds(0, SEG)],
                         w_out.at[row0, pl.ds(XMAIN, SEG)], st)

        def gather_main():
            @plsc.parallel_loop(0, XMAIN, step=L, unroll=8)
            def body(i):
                idx = x_v[pl.ds(i, L)]
                obuf[pl.ds(i, L)] = plsc.load_gather(rowbuf, [idx])

        def gather_tail():
            @plsc.parallel_loop(0, SEG, step=L, unroll=8)
            def body(i):
                idx = plsc.bitcast(x7[pl.ds(i, L)], jnp.int32)
                x7[pl.ds(i, L)] = plsc.load_gather(rowbuf, [idx])

        def drain_writes():
            pltpu.make_async_copy(
                w_out.at[row0, pl.ds(0, XMAIN)], obuf, sm).wait()
            pltpu.make_async_copy(
                w_out.at[row0, pl.ds(XMAIN, SEG)], obuf.at[pl.ds(0, SEG)],
                st).wait()

        def do_row(row, src_t, out_t):
            pltpu.sync_copy(src_t.at[row], rowbuf)
            drain_writes()
            restage = pltpu.async_copy(xf_hbm.at[pl.ds(XMAIN, SEG)], x7, sx)
            gather_main()
            restage.wait()
            gather_tail()
            pltpu.async_copy(obuf, out_t.at[row, pl.ds(0, XMAIN)], sm)
            pltpu.async_copy(x7, out_t.at[row, pl.ds(XMAIN, SEG)], st)

        def wrows(k, _):
            do_row(row0 + k, wst_hbm, w_out)
            return 0

        lax.fori_loop(0, FPW, wrows, 0)
        do_row(wid, rst_hbm, r_out)
        drain_writes()

    return gather_kernel


_gather = _make_gather()


def kernel(x, Ws, rs):
    x32 = x.astype(jnp.int32)
    xf = lax.bitcast_convert_type(x32, jnp.float32)
    Wt = Ws.transpose(1, 2, 0).reshape(D, N_DISTS)
    rt = rs.transpose(1, 0)
    OW, OR = _gather(x32, xf, Wt, rt)
    W = OW.reshape(HIDDEN, N_BITS, B).transpose(2, 0, 1)
    r = OR.transpose(1, 0)
    return (W, r)

# --- scband reference (transcript-rebuilt; emitter-appended) ---
"""Pipeline reference for scband-multiple-bide-56607668961854 (READ-ONLY COPY).

The authoritative reference and input builder live on the scoring server;
editing this copy changes nothing except your own understanding.
"""

import jax, jax.numpy as jnp
import numpy as np
import math

N_DISTS = 100000
N_BITS = 16
HIDDEN_FACTOR = 2
HIDDEN = N_BITS * HIDDEN_FACTOR
BATCH = 16384

def setup_inputs(seed: int = 0) -> dict:
    key = jax.random.key(seed)
    k1, k2, k3 = jax.random.split(key, 3)
    x = jax.random.randint(k1, (BATCH,), 0, N_DISTS, dtype=jnp.int64) if jax.config.jax_enable_x64 else jax.random.randint(k1, (BATCH,), 0, N_DISTS, dtype=jnp.int32)
    Ws = jax.random.normal(k2, (N_DISTS, HIDDEN, N_BITS), dtype=jnp.float32) * math.sqrt(2.0 / N_BITS)
    rs = jax.random.normal(k3, (N_DISTS, HIDDEN), dtype=jnp.float32) * (1.0 / math.sqrt(HIDDEN))
    return {"x": x, "Ws": Ws, "rs": rs}

def reference(x, Ws, rs):
    # Faithful translation of MultipleBIDE.forward: pure embedding-style gather
    W = jnp.take(Ws, x, axis=0)   # [B, hidden, n_bits]
    r = jnp.take(rs, x, axis=0)   # [B, hidden]
    return (W, r)

if __name__ == "__main__":
    import jax
    _d = setup_inputs()
    print(jax.jit(kernel)(*tuple(_d.values())))

</pallas_src>

<mosaic_0001>
#map = affine_map<(d0, d1) -> (0)>
#map1 = affine_map<(d0, d1) -> (0, 0)>
module attributes {stable_mosaic.version = 14 : i64} {
  func.func @gather_kernel(%arg0: i32, %arg1: i32, %arg2: memref<16384xi32, #tpu.memory_space<hbm>>, %arg3: memref<16384xf32, #tpu.memory_space<hbm>>, %arg4: memref<512x100000xf32, #tpu.memory_space<hbm>>, %arg5: memref<32x100000xf32, #tpu.memory_space<hbm>>, %arg6: memref<512x16384xf32, #tpu.memory_space<hbm>>, %arg7: memref<32x16384xf32, #tpu.memory_space<hbm>>, %arg8: memref<14336xi32, #tpu.memory_space<vmem>>, %arg9: memref<2048xf32, #tpu.memory_space<vmem>>, %arg10: memref<100000xf32, #tpu.memory_space<vmem>>, %arg11: memref<14336xf32, #tpu.memory_space<vmem>>, %arg12: memref<!tpu.dma_semaphore, #tpu.memory_space<semaphore_mem>>, %arg13: memref<!tpu.dma_semaphore, #tpu.memory_space<semaphore_mem>>, %arg14: memref<!tpu.dma_semaphore, #tpu.memory_space<semaphore_mem>>) attributes {dimension_semantics = [#tpu.dimension_semantics<core_parallel>, #tpu.dimension_semantics<subcore_parallel>], iteration_bounds = array<i64: 2, 16>, scalar_prefetch = 0 : i64, scratch_operands = 7 : i64, tpu.core_type = #tpu.core_type<sc_vector_subcore>, window_params = [{transform_indices = #map}, {transform_indices = #map}, {transform_indices = #map1}, {transform_indices = #map1}, {transform_indices = #map1}, {transform_indices = #map1}]} {
    %mul3A = arith.constant 2 : i32
    %mul3A_0 = arith.muli %arg1, %mul3A : i32
    %add3A = arith.addi %mul3A_0, %arg0 : i32
    %mul3A_1 = arith.constant 16 : i32
    %mul3A_2 = arith.muli %add3A, %mul3A_1 : i32
    "tpu.region"() ({
      %run_scoped3A = tpu.sem_alloc : memref<!tpu.dma_semaphore, #tpu.memory_space<semaphore_mem>>
      %dma_start3A_80 = arith.constant 0 : i32
      %dma_start3A_81 = tpu.memref_slice %arg2[%dma_start3A_80] : memref<16384xi32, #tpu.memory_space<hbm>> -> memref<14336xi32, #tpu.memory_space<hbm>>
      %dma_start3A_82 = arith.constant 0 : i32
      %dma_start3A_83 = tpu.memref_slice %arg2[%dma_start3A_82] : memref<16384xi32, #tpu.memory_space<hbm>> -> memref<14336xi32, #tpu.memory_space<hbm>>
      tpu.enqueue_dma source(%dma_start3A_83 : memref<14336xi32, #tpu.memory_space<hbm>>) target(%arg8 : memref<14336xi32, #tpu.memory_space<vmem>>) target_semaphore(%run_scoped3A : memref<!tpu.dma_semaphore, #tpu.memory_space<semaphore_mem>>)
      %dma_wait3A_84 = arith.constant 0 : i32
      %dma_wait3A_85 = tpu.memref_slice %arg2[%dma_wait3A_84] : memref<16384xi32, #tpu.memory_space<hbm>> -> memref<14336xi32, #tpu.memory_space<hbm>>
      %dma_wait3A_86 = arith.constant 0 : i32
      %dma_wait3A_87 = tpu.memref_slice %arg2[%dma_wait3A_86] : memref<16384xi32, #tpu.memory_space<hbm>> -> memref<14336xi32, #tpu.memory_space<hbm>>
      tpu.wait_dma2 semaphore(%run_scoped3A : memref<!tpu.dma_semaphore, #tpu.memory_space<semaphore_mem>>) src(%dma_wait3A_87 : memref<14336xi32, #tpu.memory_space<hbm>>) dst(%arg8 : memref<14336xi32, #tpu.memory_space<vmem>>)
      tpu.yield
    }) : () -> ()
    %dma_start3A = arith.constant 0 : i32
    %dma_start3A_3 = tpu.memref_slice %arg6[%mul3A_2, %dma_start3A] : memref<512x16384xf32, #tpu.memory_space<hbm>> -> memref<1x14336xf32, #tpu.memory_space<hbm>>
    %dma_start3A_4 = tpu.memref_squeeze %dma_start3A_3 : memref<1x14336xf32, #tpu.memory_space<hbm>> -> memref<14336xf32, #tpu.memory_space<hbm>>
    %dma_start3A_5 = arith.constant 0 : i32
    %dma_start3A_6 = tpu.memref_slice %arg6[%mul3A_2, %dma_start3A_5] : memref<512x16384xf32, #tpu.memory_space<hbm>> -> memref<1x14336xf32, #tpu.memory_space<hbm>>
    %dma_start3A_7 = tpu.memref_squeeze %dma_start3A_6 : memref<1x14336xf32, #tpu.memory_space<hbm>> -> memref<14336xf32, #tpu.memory_space<hbm>>
    tpu.enqueue_dma source(%arg11 : memref<14336xf32, #tpu.memory_space<vmem>>) target(%dma_start3A_7 : memref<14336xf32, #tpu.memory_space<hbm>>) target_semaphore(%arg12 : memref<!tpu.dma_semaphore, #tpu.memory_space<semaphore_mem>>)
    %dma_start3A_8 = arith.constant 0 : i32
    %dma_start3A_9 = tpu.memref_slice %arg11[%dma_start3A_8] : memref<14336xf32, #tpu.memory_space<vmem>> -> memref<2048xf32, #tpu.memory_space<vmem>>
    %dma_start3A_10 = arith.constant 14336 : i32
    %dma_start3A_11 = tpu.memref_slice %arg6[%mul3A_2, %dma_start3A_10] : memref<512x16384xf32, #tpu.memory_space<hbm>> -> memref<1x2048xf32, #tpu.memory_space<hbm>>
    %dma_start3A_12 = tpu.memref_squeeze %dma_start3A_11 : memref<1x2048xf32, #tpu.memory_space<hbm>> -> memref<2048xf32, #tpu.memory_space<hbm>>
    %dma_start3A_13 = arith.constant 14336 : i32
    %dma_start3A_14 = tpu.memref_slice %arg6[%mul3A_2, %dma_start3A_13] : memref<512x16384xf32, #tpu.memory_space<hbm>> -> memref<1x2048xf32, #tpu.memory_space<hbm>>
    %dma_start3A_15 = tpu.memref_squeeze %dma_start3A_14 : memref<1x2048xf32, #tpu.memory_space<hbm>> -> memref<2048xf32, #tpu.memory_space<hbm>>
    %dma_start3A_16 = arith.constant 0 : i32
    %dma_start3A_17 = tpu.memref_slice %arg11[%dma_start3A_16] : memref<14336xf32, #tpu.memory_space<vmem>> -> memref<2048xf32, #tpu.memory_space<vmem>>
    tpu.enqueue_dma source(%dma_start3A_17 : memref<2048xf32, #tpu.memory_space<vmem>>) target(%dma_start3A_15 : memref<2048xf32, #tpu.memory_space<hbm>>) target_semaphore(%arg13 : memref<!tpu.dma_semaphore, #tpu.memory_space<semaphore_mem>>)
    %scan3A = arith.constant 0 : i32
    %scan3A_18 = arith.constant 0 : i32
    %scan3A_19 = arith.constant 16 : i32
    %scan3A_20 = arith.addi %scan3A_18, %scan3A_19 : i32
    %scan3A_21 = arith.constant 1 : i32
    %scan3A_22 = scf.for %scan3A_80 = %scan3A_18 to %scan3A_20 step %scan3A_21 iter_args(%scan3A_81 = %scan3A) -> (i32)  : i32 {
      %add3A_82 = arith.addi %mul3A_2, %scan3A_80 : i32
      "tpu.region"() ({
        %run_scoped3A = tpu.sem_alloc : memref<!tpu.dma_semaphore, #tpu.memory_space<semaphore_mem>>
        %dma_start3A_126 = arith.constant 0 : i32
        %dma_start3A_127 = tpu.memref_slice %arg4[%add3A_82, %dma_start3A_126] : memref<512x100000xf32, #tpu.memory_space<hbm>> -> memref<1x100000xf32, #tpu.memory_space<hbm>>
        %dma_start3A_128 = tpu.memref_squeeze %dma_start3A_127 : memref<1x100000xf32, #tpu.memory_space<hbm>> -> memref<100000xf32, #tpu.memory_space<hbm>>
        %dma_start3A_129 = arith.constant 0 : i32
        %dma_start3A_130 = tpu.memref_slice %arg4[%add3A_82, %dma_start3A_129] : memref<512x100000xf32, #tpu.memory_space<hbm>> -> memref<1x100000xf32, #tpu.memory_space<hbm>>
        %dma_start3A_131 = tpu.memref_squeeze %dma_start3A_130 : memref<1x100000xf32, #tpu.memory_space<hbm>> -> memref<100000xf32, #tpu.memory_space<hbm>>
        tpu.enqueue_dma source(%dma_start3A_131 : memref<100000xf32, #tpu.memory_space<hbm>>) target(%arg10 : memref<100000xf32, #tpu.memory_space<vmem>>) target_semaphore(%run_scoped3A : memref<!tpu.dma_semaphore, #tpu.memory_space<semaphore_mem>>)
        %dma_wait3A_132 = arith.constant 0 : i32
        %dma_wait3A_133 = tpu.memref_slice %arg4[%add3A_82, %dma_wait3A_132] : memref<512x100000xf32, #tpu.memory_space<hbm>> -> memref<1x100000xf32, #tpu.memory_space<hbm>>
        %dma_wait3A_134 = tpu.memref_squeeze %dma_wait3A_133 : memref<1x100000xf32, #tpu.memory_space<hbm>> -> memref<100000xf32, #tpu.memory_space<hbm>>
        %dma_wait3A_135 = arith.constant 0 : i32
        %dma_wait3A_136 = tpu.memref_slice %arg4[%add3A_82, %dma_wait3A_135] : memref<512x100000xf32, #tpu.memory_space<hbm>> -> memref<1x100000xf32, #tpu.memory_space<hbm>>
        %dma_wait3A_137 = tpu.memref_squeeze %dma_wait3A_136 : memref<1x100000xf32, #tpu.memory_space<hbm>> -> memref<100000xf32, #tpu.memory_space<hbm>>
        tpu.wait_dma2 semaphore(%run_scoped3A : memref<!tpu.dma_semaphore, #tpu.memory_space<semaphore_mem>>) src(%dma_wait3A_137 : memref<100000xf32, #tpu.memory_space<hbm>>) dst(%arg10 : memref<100000xf32, #tpu.memory_space<vmem>>)
        tpu.yield
      }) : () -> ()
      %dma_wait3A_83 = arith.constant 0 : i32
      %dma_wait3A_84 = tpu.memref_slice %arg6[%mul3A_2, %dma_wait3A_83] : memref<512x16384xf32, #tpu.memory_space<hbm>> -> memref<1x14336xf32, #tpu.memory_space<hbm>>
      %dma_wait3A_85 = tpu.memref_squeeze %dma_wait3A_84 : memref<1x14336xf32, #tpu.memory_space<hbm>> -> memref<14336xf32, #tpu.memory_space<hbm>>
      %dma_wait3A_86 = arith.constant 0 : i32
      %dma_wait3A_87 = tpu.memref_slice %arg6[%mul3A_2, %dma_wait3A_86] : memref<512x16384xf32, #tpu.memory_space<hbm>> -> memref<1x14336xf32, #tpu.memory_space<hbm>>
      %dma_wait3A_88 = tpu.memref_squeeze %dma_wait3A_87 : memref<1x14336xf32, #tpu.memory_space<hbm>> -> memref<14336xf32, #tpu.memory_space<hbm>>
      tpu.wait_dma2 semaphore(%arg12 : memref<!tpu.dma_semaphore, #tpu.memory_space<semaphore_mem>>) src(%dma_wait3A_88 : memref<14336xf32, #tpu.memory_space<hbm>>) dst(%arg11 : memref<14336xf32, #tpu.memory_space<vmem>>)
      %dma_wait3A_89 = arith.constant 0 : i32
      %dma_wait3A_90 = tpu.memref_slice %arg11[%dma_wait3A_89] : memref<14336xf32, #tpu.memory_space<vmem>> -> memref<2048xf32, #tpu.memory_space<vmem>>
      %dma_wait3A_91 = arith.constant 14336 : i32
      %dma_wait3A_92 = tpu.memref_slice %arg6[%mul3A_2, %dma_wait3A_91] : memref<512x16384xf32, #tpu.memory_space<hbm>> -> memref<1x2048xf32, #tpu.memory_space<hbm>>
      %dma_wait3A_93 = tpu.memref_squeeze %dma_wait3A_92 : memref<1x2048xf32, #tpu.memory_space<hbm>> -> memref<2048xf32, #tpu.memory_space<hbm>>
      %dma_wait3A_94 = arith.constant 0 : i32
      %dma_wait3A_95 = tpu.memref_slice %arg11[%dma_wait3A_94] : memref<14336xf32, #tpu.memory_space<vmem>> -> memref<2048xf32, #tpu.memory_space<vmem>>
      %dma_wait3A_96 = arith.constant 14336 : i32
      %dma_wait3A_97 = tpu.memref_slice %arg6[%mul3A_2, %dma_wait3A_96] : memref<512x16384xf32, #tpu.memory_space<hbm>> -> memref<1x2048xf32, #tpu.memory_space<hbm>>
      %dma_wait3A_98 = tpu.memref_squeeze %dma_wait3A_97 : memref<1x2048xf32, #tpu.memory_space<hbm>> -> memref<2048xf32, #tpu.memory_space<hbm>>
      tpu.wait_dma2 semaphore(%arg13 : memref<!tpu.dma_semaphore, #tpu.memory_space<semaphore_mem>>) src(%dma_wait3A_98 : memref<2048xf32, #tpu.memory_space<hbm>>) dst(%dma_wait3A_95 : memref<2048xf32, #tpu.memory_space<vmem>>)
      %dma_start3A_99 = arith.constant 14336 : i32
      %dma_start3A_100 = tpu.memref_slice %arg3[%dma_start3A_99] : memref<16384xf32, #tpu.memory_space<hbm>> -> memref<2048xf32, #tpu.memory_space<hbm>>
      %dma_start3A_101 = arith.constant 14336 : i32
      %dma_start3A_102 = tpu.memref_slice %arg3[%dma_start3A_101] : memref<16384xf32, #tpu.memory_space<hbm>> -> memref<2048xf32, #tpu.memory_space<hbm>>
      tpu.enqueue_dma source(%dma_start3A_102 : memref<2048xf32, #tpu.memory_space<hbm>>) target(%arg9 : memref<2048xf32, #tpu.memory_space<vmem>>) target_semaphore(%arg14 : memref<!tpu.dma_semaphore, #tpu.memory_space<semaphore_mem>>)
      %parallel_loop3A_103 = arith.constant 0 : i32
      %parallel_loop3A_104 = arith.constant 14336 : i32
      %parallel_loop3A_105 = arith.constant 16 : i32
      scf.for %parallel_loop3A_126 = %parallel_loop3A_103 to %parallel_loop3A_104 step %parallel_loop3A_105  : i32 {
        %parallel_loop3A_127 = arith.index_cast %parallel_loop3A_126 : i32 to index
        %parallel_loop3A_128 = tpu.vector_load %arg8[%parallel_loop3A_127] {strides = array<i32>} : memref<14336xi32, #tpu.memory_space<vmem>>, vector<16xi32>,
        %parallel_loop3A_129 = tpu.vector_load_idx %arg10[%parallel_loop3A_128] : memref<100000xf32, #tpu.memory_space<vmem>>[vector<16xi32>], vector<16xf32>,
        %parallel_loop3A_130 = arith.index_cast %parallel_loop3A_126 : i32 to index
        %parallel_loop3A_131 = tpu.vector_load %arg11[%parallel_loop3A_130] {strides = array<i32>} : memref<14336xf32, #tpu.memory_space<vmem>>, vector<16xf32>,
        tpu.vector_store %arg11[%parallel_loop3A_130], %parallel_loop3A_129 {strides = array<i32>} : memref<14336xf32, #tpu.memory_space<vmem>>, vector<16xf32>,
      } {sc.loop_unroll_factor = 8 : i64, sc.parallel_access}
      %dma_wait3A_106 = arith.constant 14336 : i32
      %dma_wait3A_107 = tpu.memref_slice %arg3[%dma_wait3A_106] : memref<16384xf32, #tpu.memory_space<hbm>> -> memref<2048xf32, #tpu.memory_space<hbm>>
      %dma_wait3A_108 = arith.constant 14336 : i32
      %dma_wait3A_109 = tpu.memref_slice %arg3[%dma_wait3A_108] : memref<16384xf32, #tpu.memory_space<hbm>> -> memref<2048xf32, #tpu.memory_space<hbm>>
      tpu.wait_dma2 semaphore(%arg14 : memref<!tpu.dma_semaphore, #tpu.memory_space<semaphore_mem>>) src(%dma_wait3A_109 : memref<2048xf32, #tpu.memory_space<hbm>>) dst(%arg9 : memref<2048xf32, #tpu.memory_space<vmem>>)
      %parallel_loop3A_110 = arith.constant 0 : i32
      %parallel_loop3A_111 = arith.constant 2048 : i32
      %parallel_loop3A_112 = arith.constant 16 : i32
      scf.for %parallel_loop3A_126 = %parallel_loop3A_110 to %parallel_loop3A_111 step %parallel_loop3A_112  : i32 {
        %parallel_loop3A_127 = arith.index_cast %parallel_loop3A_126 : i32 to index
        %parallel_loop3A_128 = tpu.vector_load %arg9[%parallel_loop3A_127] {strides = array<i32>} : memref<2048xf32, #tpu.memory_space<vmem>>, vector<16xf32>,
        %parallel_loop3A_129 = vector.bitcast %parallel_loop3A_128 : vector<16xf32> to vector<16xi32>
        %parallel_loop3A_130 = tpu.vector_load_idx %arg10[%parallel_loop3A_129] : memref<100000xf32, #tpu.memory_space<vmem>>[vector<16xi32>], vector<16xf32>,
        %parallel_loop3A_131 = arith.index_cast %parallel_loop3A_126 : i32 to index
        %parallel_loop3A_132 = tpu.vector_load %arg9[%parallel_loop3A_131] {strides = array<i32>} : memref<2048xf32, #tpu.memory_space<vmem>>, vector<16xf32>,
        tpu.vector_store %arg9[%parallel_loop3A_131], %parallel_loop3A_130 {strides = array<i32>} : memref<2048xf32, #tpu.memory_space<vmem>>, vector<16xf32>,
      } {sc.loop_unroll_factor = 8 : i64, sc.parallel_access}
      %dma_start3A_113 = arith.constant 0 : i32
      %dma_start3A_114 = tpu.memref_slice %arg6[%add3A_82, %dma_start3A_113] : memref<512x16384xf32, #tpu.memory_space<hbm>> -> memref<1x14336xf32, #tpu.memory_space<hbm>>
      %dma_start3A_115 = tpu.memref_squeeze %dma_start3A_114 : memref<1x14336xf32, #tpu.memory_space<hbm>> -> memref<14336xf32, #tpu.memory_space<hbm>>
      %dma_start3A_116 = arith.constant 0 : i32
      %dma_start3A_117 = tpu.memref_slice %arg6[%add3A_82, %dma_start3A_116] : memref<512x16384xf32, #tpu.memory_space<hbm>> -> memref<1x14336xf32, #tpu.memory_space<hbm>>
      %dma_start3A_118 = tpu.memref_squeeze %dma_start3A_117 : memref<1x14336xf32, #tpu.memory_space<hbm>> -> memref<14336xf32, #tpu.memory_space<hbm>>
      tpu.enqueue_dma source(%arg11 : memref<14336xf32, #tpu.memory_space<vmem>>) target(%dma_start3A_118 : memref<14336xf32, #tpu.memory_space<hbm>>) target_semaphore(%arg12 : memref<!tpu.dma_semaphore, #tpu.memory_space<semaphore_mem>>)
      %dma_start3A_119 = arith.constant 14336 : i32
      %dma_start3A_120 = tpu.memref_slice %arg6[%add3A_82, %dma_start3A_119] : memref<512x16384xf32, #tpu.memory_space<hbm>> -> memref<1x2048xf32, #tpu.memory_space<hbm>>
      %dma_start3A_121 = tpu.memref_squeeze %dma_start3A_120 : memref<1x2048xf32, #tpu.memory_space<hbm>> -> memref<2048xf32, #tpu.memory_space<hbm>>
      %dma_start3A_122 = arith.constant 14336 : i32
      %dma_start3A_123 = tpu.memref_slice %arg6[%add3A_82, %dma_start3A_122] : memref<512x16384xf32, #tpu.memory_space<hbm>> -> memref<1x2048xf32, #tpu.memory_space<hbm>>
      %dma_start3A_124 = tpu.memref_squeeze %dma_start3A_123 : memref<1x2048xf32, #tpu.memory_space<hbm>> -> memref<2048xf32, #tpu.memory_space<hbm>>
      tpu.enqueue_dma source(%arg9 : memref<2048xf32, #tpu.memory_space<vmem>>) target(%dma_start3A_124 : memref<2048xf32, #tpu.memory_space<hbm>>) target_semaphore(%arg13 : memref<!tpu.dma_semaphore, #tpu.memory_space<semaphore_mem>>)
      %scan3A_125 = arith.constant 0 : i32
      scf.yield %scan3A_125 : i32
    }
    %scan3A_23 = arith.constant 16 : i32
    "tpu.region"() ({
      %run_scoped3A = tpu.sem_alloc : memref<!tpu.dma_semaphore, #tpu.memory_space<semaphore_mem>>
      %dma_start3A_80 = arith.constant 0 : i32
      %dma_start3A_81 = tpu.memref_slice %arg5[%add3A, %dma_start3A_80] : memref<32x100000xf32, #tpu.memory_space<hbm>> -> memref<1x100000xf32, #tpu.memory_space<hbm>>
      %dma_start3A_82 = tpu.memref_squeeze %dma_start3A_81 : memref<1x100000xf32, #tpu.memory_space<hbm>> -> memref<100000xf32, #tpu.memory_space<hbm>>
      %dma_start3A_83 = arith.constant 0 : i32
      %dma_start3A_84 = tpu.memref_slice %arg5[%add3A, %dma_start3A_83] : memref<32x100000xf32, #tpu.memory_space<hbm>> -> memref<1x100000xf32, #tpu.memory_space<hbm>>
      %dma_start3A_85 = tpu.memref_squeeze %dma_start3A_84 : memref<1x100000xf32, #tpu.memory_space<hbm>> -> memref<100000xf32, #tpu.memory_space<hbm>>
      tpu.enqueue_dma source(%dma_start3A_85 : memref<100000xf32, #tpu.memory_space<hbm>>) target(%arg10 : memref<100000xf32, #tpu.memory_space<vmem>>) target_semaphore(%run_scoped3A : memref<!tpu.dma_semaphore, #tpu.memory_space<semaphore_mem>>)
      %dma_wait3A_86 = arith.constant 0 : i32
      %dma_wait3A_87 = tpu.memref_slice %arg5[%add3A, %dma_wait3A_86] : memref<32x100000xf32, #tpu.memory_space<hbm>> -> memref<1x100000xf32, #tpu.memory_space<hbm>>
      %dma_wait3A_88 = tpu.memref_squeeze %dma_wait3A_87 : memref<1x100000xf32, #tpu.memory_space<hbm>> -> memref<100000xf32, #tpu.memory_space<hbm>>
      %dma_wait3A_89 = arith.constant 0 : i32
      %dma_wait3A_90 = tpu.memref_slice %arg5[%add3A, %dma_wait3A_89] : memref<32x100000xf32, #tpu.memory_space<hbm>> -> memref<1x100000xf32, #tpu.memory_space<hbm>>
      %dma_wait3A_91 = tpu.memref_squeeze %dma_wait3A_90 : memref<1x100000xf32, #tpu.memory_space<hbm>> -> memref<100000xf32, #tpu.memory_space<hbm>>
      tpu.wait_dma2 semaphore(%run_scoped3A : memref<!tpu.dma_semaphore, #tpu.memory_space<semaphore_mem>>) src(%dma_wait3A_91 : memref<100000xf32, #tpu.memory_space<hbm>>) dst(%arg10 : memref<100000xf32, #tpu.memory_space<vmem>>)
      tpu.yield
    }) : () -> ()
    %dma_wait3A = arith.constant 0 : i32
    %dma_wait3A_24 = tpu.memref_slice %arg6[%mul3A_2, %dma_wait3A] : memref<512x16384xf32, #tpu.memory_space<hbm>> -> memref<1x14336xf32, #tpu.memory_space<hbm>>
    %dma_wait3A_25 = tpu.memref_squeeze %dma_wait3A_24 : memref<1x14336xf32, #tpu.memory_space<hbm>> -> memref<14336xf32, #tpu.memory_space<hbm>>
    %dma_wait3A_26 = arith.constant 0 : i32
    %dma_wait3A_27 = tpu.memref_slice %arg6[%mul3A_2, %dma_wait3A_26] : memref<512x16384xf32, #tpu.memory_space<hbm>> -> memref<1x14336xf32, #tpu.memory_space<hbm>>
    %dma_wait3A_28 = tpu.memref_squeeze %dma_wait3A_27 : memref<1x14336xf32, #tpu.memory_space<hbm>> -> memref<14336xf32, #tpu.memory_space<hbm>>
    tpu.wait_dma2 semaphore(%arg12 : memref<!tpu.dma_semaphore, #tpu.memory_space<semaphore_mem>>) src(%dma_wait3A_28 : memref<14336xf32, #tpu.memory_space<hbm>>) dst(%arg11 : memref<14336xf32, #tpu.memory_space<vmem>>)
    %dma_wait3A_29 = arith.constant 0 : i32
    %dma_wait3A_30 = tpu.memref_slice %arg11[%dma_wait3A_29] : memref<14336xf32, #tpu.memory_space<vmem>> -> memref<2048xf32, #tpu.memory_space<vmem>>
    %dma_wait3A_31 = arith.constant 14336 : i32
    %dma_wait3A_32 = tpu.memref_slice %arg6[%mul3A_2, %dma_wait3A_31] : memref<512x16384xf32, #tpu.memory_space<hbm>> -> memref<1x2048xf32, #tpu.memory_space<hbm>>
    %dma_wait3A_33 = tpu.memref_squeeze %dma_wait3A_32 : memref<1x2048xf32, #tpu.memory_space<hbm>> -> memref<2048xf32, #tpu.memory_space<hbm>>
    %dma_wait3A_34 = arith.constant 0 : i32
    %dma_wait3A_35 = tpu.memref_slice %arg11[%dma_wait3A_34] : memref<14336xf32, #tpu.memory_space<vmem>> -> memref<2048xf32, #tpu.memory_space<vmem>>
    %dma_wait3A_36 = arith.constant 14336 : i32
    %dma_wait3A_37 = tpu.memref_slice %arg6[%mul3A_2, %dma_wait3A_36] : memref<512x16384xf32, #tpu.memory_space<hbm>> -> memref<1x2048xf32, #tpu.memory_space<hbm>>
    %dma_wait3A_38 = tpu.memref_squeeze %dma_wait3A_37 : memref<1x2048xf32, #tpu.memory_space<hbm>> -> memref<2048xf32, #tpu.memory_space<hbm>>
    tpu.wait_dma2 semaphore(%arg13 : memref<!tpu.dma_semaphore, #tpu.memory_space<semaphore_mem>>) src(%dma_wait3A_38 : memref<2048xf32, #tpu.memory_space<hbm>>) dst(%dma_wait3A_35 : memref<2048xf32, #tpu.memory_space<vmem>>)
    %dma_start3A_39 = arith.constant 14336 : i32
    %dma_start3A_40 = tpu.memref_slice %arg3[%dma_start3A_39] : memref<16384xf32, #tpu.memory_space<hbm>> -> memref<2048xf32, #tpu.memory_space<hbm>>
    %dma_start3A_41 = arith.constant 14336 : i32
    %dma_start3A_42 = tpu.memref_slice %arg3[%dma_start3A_41] : memref<16384xf32, #tpu.memory_space<hbm>> -> memref<2048xf32, #tpu.memory_space<hbm>>
    tpu.enqueue_dma source(%dma_start3A_42 : memref<2048xf32, #tpu.memory_space<hbm>>) target(%arg9 : memref<2048xf32, #tpu.memory_space<vmem>>) target_semaphore(%arg14 : memref<!tpu.dma_semaphore, #tpu.memory_space<semaphore_mem>>)
    %parallel_loop3A = arith.constant 0 : i32
    %parallel_loop3A_43 = arith.constant 14336 : i32
    %parallel_loop3A_44 = arith.constant 16 : i32
    scf.for %parallel_loop3A_80 = %parallel_loop3A to %parallel_loop3A_43 step %parallel_loop3A_44  : i32 {
      %parallel_loop3A_81 = arith.index_cast %parallel_loop3A_80 : i32 to index
      %parallel_loop3A_82 = tpu.vector_load %arg8[%parallel_loop3A_81] {strides = array<i32>} : memref<14336xi32, #tpu.memory_space<vmem>>, vector<16xi32>,
      %parallel_loop3A_83 = tpu.vector_load_idx %arg10[%parallel_loop3A_82] : memref<100000xf32, #tpu.memory_space<vmem>>[vector<16xi32>], vector<16xf32>,
      %parallel_loop3A_84 = arith.index_cast %parallel_loop3A_80 : i32 to index
      %parallel_loop3A_85 = tpu.vector_load %arg11[%parallel_loop3A_84] {strides = array<i32>} : memref<14336xf32, #tpu.memory_space<vmem>>, vector<16xf32>,
      tpu.vector_store %arg11[%parallel_loop3A_84], %parallel_loop3A_83 {strides = array<i32>} : memref<14336xf32, #tpu.memory_space<vmem>>, vector<16xf32>,
    } {sc.loop_unroll_factor = 8 : i64, sc.parallel_access}
    %dma_wait3A_45 = arith.constant 14336 : i32
    %dma_wait3A_46 = tpu.memref_slice %arg3[%dma_wait3A_45] : memref<16384xf32, #tpu.memory_space<hbm>> -> memref<2048xf32, #tpu.memory_space<hbm>>
    %dma_wait3A_47 = arith.constant 14336 : i32
    %dma_wait3A_48 = tpu.memref_slice %arg3[%dma_wait3A_47] : memref<16384xf32, #tpu.memory_space<hbm>> -> memref<2048xf32, #tpu.memory_space<hbm>>
    tpu.wait_dma2 semaphore(%arg14 : memref<!tpu.dma_semaphore, #tpu.memory_space<semaphore_mem>>) src(%dma_wait3A_48 : memref<2048xf32, #tpu.memory_space<hbm>>) dst(%arg9 : memref<2048xf32, #tpu.memory_space<vmem>>)
    %parallel_loop3A_49 = arith.constant 0 : i32
    %parallel_loop3A_50 = arith.constant 2048 : i32
    %parallel_loop3A_51 = arith.constant 16 : i32
    scf.for %parallel_loop3A_80 = %parallel_loop3A_49 to %parallel_loop3A_50 step %parallel_loop3A_51  : i32 {
      %parallel_loop3A_81 = arith.index_cast %parallel_loop3A_80 : i32 to index
      %parallel_loop3A_82 = tpu.vector_load %arg9[%parallel_loop3A_81] {strides = array<i32>} : memref<2048xf32, #tpu.memory_space<vmem>>, vector<16xf32>,
      %parallel_loop3A_83 = vector.bitcast %parallel_loop3A_82 : vector<16xf32> to vector<16xi32>
      %parallel_loop3A_84 = tpu.vector_load_idx %arg10[%parallel_loop3A_83] : memref<100000xf32, #tpu.memory_space<vmem>>[vector<16xi32>], vector<16xf32>,
      %parallel_loop3A_85 = arith.index_cast %parallel_loop3A_80 : i32 to index
      %parallel_loop3A_86 = tpu.vector_load %arg9[%parallel_loop3A_85] {strides = array<i32>} : memref<2048xf32, #tpu.memory_space<vmem>>, vector<16xf32>,
      tpu.vector_store %arg9[%parallel_loop3A_85], %parallel_loop3A_84 {strides = array<i32>} : memref<2048xf32, #tpu.memory_space<vmem>>, vector<16xf32>,
    } {sc.loop_unroll_factor = 8 : i64, sc.parallel_access}
    %dma_start3A_52 = arith.constant 0 : i32
    %dma_start3A_53 = tpu.memref_slice %arg7[%add3A, %dma_start3A_52] : memref<32x16384xf32, #tpu.memory_space<hbm>> -> memref<1x14336xf32, #tpu.memory_space<hbm>>
    %dma_start3A_54 = tpu.memref_squeeze %dma_start3A_53 : memref<1x14336xf32, #tpu.memory_space<hbm>> -> memref<14336xf32, #tpu.memory_space<hbm>>
    %dma_start3A_55 = arith.constant 0 : i32
    %dma_start3A_56 = tpu.memref_slice %arg7[%add3A, %dma_start3A_55] : memref<32x16384xf32, #tpu.memory_space<hbm>> -> memref<1x14336xf32, #tpu.memory_space<hbm>>
    %dma_start3A_57 = tpu.memref_squeeze %dma_start3A_56 : memref<1x14336xf32, #tpu.memory_space<hbm>> -> memref<14336xf32, #tpu.memory_space<hbm>>
    tpu.enqueue_dma source(%arg11 : memref<14336xf32, #tpu.memory_space<vmem>>) target(%dma_start3A_57 : memref<14336xf32, #tpu.memory_space<hbm>>) target_semaphore(%arg12 : memref<!tpu.dma_semaphore, #tpu.memory_space<semaphore_mem>>)
    %dma_start3A_58 = arith.constant 14336 : i32
    %dma_start3A_59 = tpu.memref_slice %arg7[%add3A, %dma_start3A_58] : memref<32x16384xf32, #tpu.memory_space<hbm>> -> memref<1x2048xf32, #tpu.memory_space<hbm>>
    %dma_start3A_60 = tpu.memref_squeeze %dma_start3A_59 : memref<1x2048xf32, #tpu.memory_space<hbm>> -> memref<2048xf32, #tpu.memory_space<hbm>>
    %dma_start3A_61 = arith.constant 14336 : i32
    %dma_start3A_62 = tpu.memref_slice %arg7[%add3A, %dma_start3A_61] : memref<32x16384xf32, #tpu.memory_space<hbm>> -> memref<1x2048xf32, #tpu.memory_space<hbm>>
    %dma_start3A_63 = tpu.memref_squeeze %dma_start3A_62 : memref<1x2048xf32, #tpu.memory_space<hbm>> -> memref<2048xf32, #tpu.memory_space<hbm>>
    tpu.enqueue_dma source(%arg9 : memref<2048xf32, #tpu.memory_space<vmem>>) target(%dma_start3A_63 : memref<2048xf32, #tpu.memory_space<hbm>>) target_semaphore(%arg13 : memref<!tpu.dma_semaphore, #tpu.memory_space<semaphore_mem>>)
    %dma_wait3A_64 = arith.constant 0 : i32
    %dma_wait3A_65 = tpu.memref_slice %arg6[%mul3A_2, %dma_wait3A_64] : memref<512x16384xf32, #tpu.memory_space<hbm>> -> memref<1x14336xf32, #tpu.memory_space<hbm>>
    %dma_wait3A_66 = tpu.memref_squeeze %dma_wait3A_65 : memref<1x14336xf32, #tpu.memory_space<hbm>> -> memref<14336xf32, #tpu.memory_space<hbm>>
    %dma_wait3A_67 = arith.constant 0 : i32
    %dma_wait3A_68 = tpu.memref_slice %arg6[%mul3A_2, %dma_wait3A_67] : memref<512x16384xf32, #tpu.memory_space<hbm>> -> memref<1x14336xf32, #tpu.memory_space<hbm>>
    %dma_wait3A_69 = tpu.memref_squeeze %dma_wait3A_68 : memref<1x14336xf32, #tpu.memory_space<hbm>> -> memref<14336xf32, #tpu.memory_space<hbm>>
    tpu.wait_dma2 semaphore(%arg12 : memref<!tpu.dma_semaphore, #tpu.memory_space<semaphore_mem>>) src(%dma_wait3A_69 : memref<14336xf32, #tpu.memory_space<hbm>>) dst(%arg11 : memref<14336xf32, #tpu.memory_space<vmem>>)
    %dma_wait3A_70 = arith.constant 0 : i32
    %dma_wait3A_71 = tpu.memref_slice %arg11[%dma_wait3A_70] : memref<14336xf32, #tpu.memory_space<vmem>> -> memref<2048xf32, #tpu.memory_space<vmem>>
    %dma_wait3A_72 = arith.constant 14336 : i32
    %dma_wait3A_73 = tpu.memref_slice %arg6[%mul3A_2, %dma_wait3A_72] : memref<512x16384xf32, #tpu.memory_space<hbm>> -> memref<1x2048xf32, #tpu.memory_space<hbm>>
    %dma_wait3A_74 = tpu.memref_squeeze %dma_wait3A_73 : memref<1x2048xf32, #tpu.memory_space<hbm>> -> memref<2048xf32, #tpu.memory_space<hbm>>
    %dma_wait3A_75 = arith.constant 0 : i32
    %dma_wait3A_76 = tpu.memref_slice %arg11[%dma_wait3A_75] : memref<14336xf32, #tpu.memory_space<vmem>> -> memref<2048xf32, #tpu.memory_space<vmem>>
    %dma_wait3A_77 = arith.constant 14336 : i32
    %dma_wait3A_78 = tpu.memref_slice %arg6[%mul3A_2, %dma_wait3A_77] : memref<512x16384xf32, #tpu.memory_space<hbm>> -> memref<1x2048xf32, #tpu.memory_space<hbm>>
    %dma_wait3A_79 = tpu.memref_squeeze %dma_wait3A_78 : memref<1x2048xf32, #tpu.memory_space<hbm>> -> memref<2048xf32, #tpu.memory_space<hbm>>
    tpu.wait_dma2 semaphore(%arg13 : memref<!tpu.dma_semaphore, #tpu.memory_space<semaphore_mem>>) src(%dma_wait3A_79 : memref<2048xf32, #tpu.memory_space<hbm>>) dst(%dma_wait3A_76 : memref<2048xf32, #tpu.memory_space<vmem>>)
    return
  }
}

</mosaic_0001>

<sc_bundles>
// kernel: kernel.3.cloned.1.call-start
scs
__scs_entry_jumppad:
0x0: {  	(pc) =	sbr.rel $0x88, $3  }
0x1: {  	(tag) =	ssettag $0x0;
	lr =	simm.s32 $0x1  }
0x2: {  	[smem:$0x3F9E] =	sst lr;
	_ =	strace $0xD0000000  }
0x3: {  	_ = 	snop  }
0x4: {  	_ = 	snop  }
0x5: {  	_ = 	snop  }
0x6: {  	_ = 	snop  }
0x7: {  	_ = 	snop  }
__scs_overlays_trampoline_lowered:
0x8: {  	[smem:$0x3FAD] =	sst s0  }
0x9: {  	[smem:$0x3FAE] =	sst s1  }
0xa: {  	[smem:$0x3FAF] =	sst s2  }
0xb: {  	[smem:$0x3FB0] =	sst s3  }
0xc: {  	[smem:$0x3FB1] =	sst s4  }
0xd: {  	[smem:$0x3FB2] =	sst s5  }
0xe: {  	[smem:$0x3FB3] =	sst s6  }
0xf: {  	[smem:$0x3FB4] =	sst s7  }
0x10: {  	[smem:$0x3FB5] =	sst s8  }
0x11: {  	[smem:$0x3FB6] =	sst s9;
	s0 =	simm.s32 @!p0 $0x0  }
0x12: {  	s1 =	sld [smem:$0x3F9C];
	s0 =	simm.s32 @p0 $0x1  }
0x13: {  	[smem:$0x3FB7] =	sst s0;
	s0 =	simm.s32 @!p1 $0x0  }
0x14: {  	s2 =	sld [smem:$0x3F9B];
	s0 =	simm.s32 @p1 $0x1  }
0x15: {  	[smem:$0x3FB8] =	sst s0;
	s0 =	simm.s32 @!p2 $0x0  }
0x16: {  	s3 =	sld [smem:$0x3FDB];
	s0 =	simm.s32 @p2 $0x1  }
0x17: {  	s4 =	simm.s32 $0x1BF5;
	[smem:$0x3FBA] =	sst s0  }
0x18: {  	s0 =	sld [smem:$0x3F9D];
	_ =	swait.ge [sflag:s4], $0x0  }
0x19: {  	s7 =	sld [smem:$0x3F9E]  }
0x1a: {  	s8 =	sadd.s32 $0xFFFFE003, lr  }
0x1b: {  	s9 =	sadd.s32 $0xFFFFFEF7, lr;
	s5 =	simm.s32 $0xFFFFFFFF;
	p2 =	slt.u32 s8, $0xFFFFF086  }
0x1c: {  	p1 =	slt.u32 s9, $0xF7A;
	s5 =	simm.s32 @!p2 $0x0  }
0x1d: {  	s5 =	simm.s32 @p1 $0x1;
	p0 =	seq.s32 s7, s2  }
0x1e: {  	s7 =	smul.u32 @!p0 $0xF7A, s2;
	p2 =	seq.s32 @!p0 s5, $0x0  }
0x1f: {  	s9 =	smul.u32 $0xF7A, s1;
	s8 =	simm.s32 @!p0 $0x1BF5;
	p2 =	por !p2, p0  }
0x20: {  	[sflag:s8] =	ssyncset.s32 @!p0 $0xFFFFF086;
	s6 =	sadd.s32 @!p0 s3, s7;
	s7 =	simm.s32 @!p0 $0x108  }
0x21: {  	s3 =	sadd.s32 s3, s9;
	s6 =	sadd.s32 @!p0 $0x88, s6;
	s7 =	simm.s32 @p2 $0x1082  }
0x22: {  	[simem:s7], [sflag:s8] =	dma.local @!p0 [hbm:s6], $0xF7A  }
0x23: {  	s9 =	sor.u32 $0xD0000000, s2;
	s6 =	simm.s32 $0x108;
	_ =	swait.ge @!p0 [sflag:s8], $0x0  }
0x24: {  	s3 =	sadd.s32 $0x88, s3;
	s6 =	simm.s32 @!p1 $0x1082;
	[sflag:s4] =	ssyncset.s32 $0xFFFFF086  }
0x25: {  	[simem:s6], [sflag:s4] =	dma.local [hbm:s3], $0xF7A  }
0x26: {  	[smem:$0x3F9E] =	sst s1;
	(tag) =	ssettag s2;
	_ =	strace s9  }
0x27: {  	s1 =	sld [smem:$0x3FAE]  }
0x28: {  	s2 =	sld [smem:$0x3FAF]  }
0x29: {  	s4 =	sld [smem:$0x3FB1]  }
0x2a: {  	p0 =	seq.s32 s5, $0x0;
	s5 =	sld [smem:$0x3FB2]  }
0x2b: {  	s6 =	sld [smem:$0x3FB3]  }
0x2c: {  	s7 =	sld [smem:$0x3FB4]  }
0x2d: {  	s3 =	simm.s32 $0x108;
	s8 =	sld [smem:$0x3FB5]  }
0x2e: {  	s3 =	simm.s32 @!p0 $0x1082;
	s9 =	sld [smem:$0x3FB6]  }
0x2f: {  	lr =	sadd.s32 s0, s3;
	s0 =	sld [smem:$0x3FAD]  }
0x30: {  	s3 =	sld [smem:$0x3FB0]  }
0x31: {  	[smem:$0x3FB9] =	sst s10  }
0x32: {  	s10 =	sld [smem:$0x3FB7];
	_ =	sdelay $0x3  }
0x33: {  	p0 =	seq.s32 s10, $0x1;
	s10 =	sld [smem:$0x3FB9];
	_ =	sdelay $0x3  }
0x34: {  	[smem:$0x3FB9] =	sst s10  }
0x35: {  	s10 =	sld [smem:$0x3FB8];
	_ =	sdelay $0x3  }
0x36: {  	p1 =	seq.s32 s10, $0x1;
	s10 =	sld [smem:$0x3FB9];
	_ =	sdelay $0x3  }
0x37: {  	[smem:$0x3FB9] =	sst s10  }
0x38: {  	s10 =	sld [smem:$0x3FBA]  }
0x39: {  	_ = 	snop;
	(pc) =	sbr.ind lr, $3  }
0x3a: {  	_ = 	snop  }
0x3b: {  	_ = 	snop  }
0x3c: {  	p2 =	seq.s32 s10, $0x1;
	s10 =	sld [smem:$0x3FB9]  }
0x3d: {  	_ =	shalt  }
0x3e: {  	_ =	shalt  }
0x3f: {  	_ =	shalt  }
0x40: {  	_ =	shalt  }
0x41: {  	_ =	shalt  }
0x42: {  	_ =	shalt  }
0x43: {  	_ =	shalt  }
0x44: {  	_ =	shalt  }
0x45: {  	_ =	shalt  }
0x46: {  	_ =	shalt  }
0x47: {  	_ =	shalt  }
0x48: {  	_ =	shalt  }
0x49: {  	_ =	shalt  }
0x4a: {  	_ =	shalt  }
0x4b: {  	_ =	shalt  }
0x4c: {  	_ =	shalt  }
0x4d: {  	_ =	shalt  }
0x4e: {  	_ =	shalt  }
0x4f: {  	_ =	shalt  }
0x50: {  	_ =	shalt  }
0x51: {  	_ =	shalt  }
0x52: {  	_ =	shalt  }
0x53: {  	_ =	shalt  }
0x54: {  	_ =	shalt  }
0x55: {  	_ =	shalt  }
0x56: {  	_ =	shalt  }
0x57: {  	_ =	shalt  }
0x58: {  	_ =	shalt  }
0x59: {  	_ =	shalt  }
0x5a: {  	_ =	shalt  }
0x5b: {  	_ =	shalt  }
0x5c: {  	_ =	shalt  }
0x5d: {  	_ =	shalt  }
0x5e: {  	_ =	shalt  }
0x5f: {  	_ =	shalt  }
0x60: {  	_ =	shalt  }
0x61: {  	_ =	shalt  }
0x62: {  	_ =	shalt  }
0x63: {  	_ =	shalt  }
0x64: {  	_ =	shalt  }
0x65: {  	_ =	shalt  }
0x66: {  	_ =	shalt  }
0x67: {  	_ =	shalt  }
0x68: {  	_ =	shalt  }
0x69: {  	_ =	shalt  }
0x6a: {  	_ =	shalt  }
0x6b: {  	_ =	shalt  }
0x6c: {  	_ =	shalt  }
0x6d: {  	_ =	shalt  }
0x6e: {  	_ =	shalt  }
0x6f: {  	_ =	shalt  }
0x70: {  	_ =	shalt  }
0x71: {  	_ =	shalt  }
0x72: {  	_ =	shalt  }
0x73: {  	_ =	shalt  }
0x74: {  	_ =	shalt  }
0x75: {  	_ =	shalt  }
0x76: {  	_ =	shalt  }
0x77: {  	_ =	shalt  }
0x78: {  	_ =	shalt  }
0x79: {  	_ =	shalt  }
0x7a: {  	_ =	shalt  }
0x7b: {  	_ =	shalt  }
0x7c: {  	_ =	shalt  }
0x7d: {  	_ =	shalt  }
0x7e: {  	_ =	shalt  }
0x7f: {  	_ =	shalt  }
0x80: {  	_ =	shalt  }
0x81: {  	_ =	shalt  }
0x82: {  	_ =	shalt  }
0x83: {  	_ =	shalt  }
0x84: {  	_ =	shalt  }
0x85: {  	_ =	shalt  }
0x86: {  	_ =	shalt  }
0x87: {  	_ =	shalt  }
.Lfunc_end0:
.L_simem_size_0:
called_computation_lowered:
.L_overlay_start_0:
0x88: {  	s2 =	sld [smem:$0x3FD9]  }
0x89: {  	s3 =	sld [smem:$0x3FFE];
	_ =	sdelay $0x1  }
0x8a: {  	s1 =	srdreg.scid  }
0x8b: {  	s0 =	sand.u32 $0x1, s1  }
0x8c: {  	s14 =	sshll.u32 s0, $0xA;
	s2 =	sadd.s32 s3, s2  }
0x8d: {  	s2 =	sadd.s32 s2, s14  }
0x8e: {  	[smem:$0x3FC5] =	sst s2  }
0x8f: {  	_ = 	snop  }
0x90: {  	s2 =	sld [smem:$0x3FD0]  }
0x91: {  	s15 =	sld [smem:$0x3FC9]  }
0x92: {  	s4 =	sld [smem:$0x3FC8]  }
0x93: {  	s6 =	simm.s32 $0xA;
	s7 =	simm.s32 $0x10;
	s5 =	sld [smem:$0x3FC7]  }
0x94: {  	[smem:s7], [sflag:s6] =	dma.local [hbm:s2], $0x1  }
0x95: {  	_ =	swait.eq [sflag:s6], $0x1  }
0x96: {  	[sflag:s6] =	ssyncset.done $0x0  }
0x97: {  	s16 =	sld [smem:$0x10];
	[sflag:s6] =	ssyncadd.s32 $0xFFFFFFFF  }
0x98: {  	s17 =	sld [smem:$0x11];
	(tm) =	ssettm $0x1  }
0x99: {  	s18 =	sld [smem:$0x3FFB];
	_ =	sdelay $0x3  }
0x9a: {  	_ =	strace s18  }
0x9b: {  	s7 =	sld [smem:$0x3FFC];
	_ =	sdelay $0x3  }
0x9c: {  	_ =	strace s7  }
0x9d: {  	s7 =	sld [smem:$0x3FFD];
	_ =	sdelay $0x3  }
0x9e: {  	_ =	strace s7  }
0x9f: {  	_ =	strace $0x8FFFFFFF  }
0xa0: {  	s19 =	sld [smem:$0x3FDB];
	_ =	sdelay $0x1  }
0xa1: {  	s8 =	simm.s32 $_scs_section_size  }
0xa2: {  	s9 =	simm.s32 $_size__tile_overlayer_lowered;
	s10 =	simm.s32 $_tile_overlayer_lowered  }
0xa3: {  	s22 =	simm.s32 $0x1BFF;
	s21 =	sshll.u32 s10, $0x1;
	s7 =	sadd.s32 s8, s19  }
0xa4: {  	s11 =	simm.s32 $0x0;
	s20 =	sshll.u32 s9, $0x1;
	s9 =	sadd.s32 s21, s7  }
0xa5: {  	[timem:s11], [sflag:s22] =	dma.local [hbm:s9], s20  }
0xa6: {  	_ =	swait.ge [sflag:s22], s20  }
0xa7: {  	s8 =	ssub.s32 $0x0, s20;
	[sflag:s22] =	ssyncset.done $0x0  }
0xa8: {  	[sflag:s22] =	ssyncadd.s32 s8;
	_ =	sdelay $0x1  }
0xa9: {  	s23 =	simm.s32 $0x1B8B  }
0xaa: {  	_ =	swait.ge [sflag:s23], $0x1  }
0xab: {  	[sflag:s23] =	ssyncset.done $0x0  }
0xac: {  	s25 =	simm.s32 $0x1B8E;
	s24 =	sld [smem:$0x3FFE];
	[sflag:s23] =	ssyncadd.s32 $0xFFFFFFFF  }
0xad: {  	s26 =	simm.s32 $execute0_lowered;
	[smem:$0x3FD2] =	sst s25  }
0xae: {  	s9 =	sshll.u32 s26, $0x1;
	_ =	strace $0x80000046;
	[dreg:$0x1] =	wrdreg $0xFFFFFFFF  }
0xaf: {  	s28 =	simm.s32 $_size_execute0_lowered;
	s7 =	sadd.s32 s7, s9;
	[dreg:$0x0] =	wrdreg $0x0  }
0xb0: {  	s9 =	sshll.u32 s28, $0x1;
	[dreg:$0x2] =	wrdreg s7  }
0xb1: {  	[dreg:$0x3] =	wrdreg s9  }
0xb2: {  	[dreg:$0x4] =	wrdreg $0xC0  }
0xb3: {  	_ =	task [dreg:s11], $0x5FFFF  }
0xb4: {  	[dreg:$0x1] =	wrdreg $0xFFFFFFFF  }
0xb5: {  	[dreg:$0x0] =	wrdreg $0x60  }
0xb6: {  	[dreg:$0x2] =	wrdreg s15  }
0xb7: {  	[dreg:$0x3] =	wrdreg s24  }
0xb8: {  	[dreg:$0x4] =	wrdreg s4  }
0xb9: {  	[dreg:$0x5] =	wrdreg s5  }
0xba: {  	[dreg:$0x6] =	wrdreg s16  }
0xbb: {  	[dreg:$0x7] =	wrdreg s17  }
0xbc: {  	[dreg:$0x8] =	wrdreg $0x9  }
0xbd: {  	_ =	task.clear_ibuf [dreg:s11], $0x9FFFF;
	_ =	strace $0x90000046  }
0xbe: {  	s29 =	simm.s32 $0x9;
	_ =	strace $0x80000048  }
0xbf: {  	_ =	swait.ge [sflag:s29], $0x1  }
0xc0: {  	[sflag:s29] =	ssyncadd.s32 $0xFFFFFFFF  }
0xc1: {  	_ =	strace $0x90000048  }
0xc2: {  	_ =	sfence  }
0xc3: {  	s30 =	sld [smem:$0x0];
	_ =	sdelay $0x2  }
0xc4: {  	s31 =	sshll.u32 s1, $0xD;
	s1 =	sshrl.u32 s1, $0x2  }
0xc5: {  	s3 =	sand.u32 $0x4000, s31;
	s1 =	sadd.s32 s1, s30  }
0xc6: {  	s0 =	sor.u32 s3, s0;
	s1 =	sshll.u32 s1, $0x11  }
0xc7: {  	s0 =	sor.u32 s1, s0  }
0xc8: {  	s0 =	sadd.s32 $0x8F2B, s0  }
0xc9: {  	[sflag:s0] =	ssyncadd.remote.s32 $0x1  }
0xca: {  	_ =	sfence.sel $0xFFFF  }
0xcb: {  	[dreg:$0x0] =	wrdreg $0xFFFFFFFF;
	(pc) =	sbr.abs _section_cstart, $3  }
0xcc: {  	[dreg:$0x1] =	wrdreg $0xFFFFFFFF  }
0xcd: {  	_ =	task.clear_ibuf [dreg:s11], $0x2FFFF;
	_ =	strace $0x9FFFFFFF  }
0xce: {  	(tm) =	ssettm $0x7FFFFFFF  }
0xcf: {  	_ =	shalt  }
tec
execute0_lowered:
.L_overlay_start_1:
0x0: {  	(tag) =	ssettag $0x1  }
0x1: {  	s1 =	rddreg [dreg:$0x0]  }
0x2: {  	s10 =	rddreg [dreg:$0x1]  }
0x3: {  	s2 =	rddreg [dreg:$0x2]  }
0x4: {  	s11 =	rddreg [dreg:$0x3]  }
0x5: {  	s3 =	rddreg [dreg:$0x4]  }
0x6: {  	s12 =	rddreg [dreg:$0x5]  }
0x7: {  	s0 =	rddreg [dreg:$0x6];
	s6 =	srdreg.scid  }
0x8: {  	s5 =	simm.s32 $0x0;
	s4 =	stileid.u32;
	s17 =	simm.s32 $0x400  }
0x9: {  	s18 =	simm.s32 $0x1C700;
	s19 =	simm.s32 $0x4000;
	s20 =	simm.s32 $0x1  }
0xa: {  	s21 =	simm.s32 $0x2;
	s22 =	simm.s32 $0x3800;
	s23 =	simm.s32 $0x3  }
0xb: {  	s24 =	simm.s32 $0x0;
	s6 =	sand.u32 $0x1, s6;
	[smem:$0x7FF] =	sst s5  }
0xc: {  	s8 =	sshll.u32 s4, $0x1;
	s29 =	sshrl.u32 s4, $0x2;
	s10 =	sadd.s32 $0xF00, s10  }
0xd: {  	s7 =	ssub.s32 $0x2, s6;
	_ =	strace $0x80000047;
	s8 =	sor.u32 s6, s8  }
0xe: {  	s15 =	smul.u32 $0xC3800, s29;
	s9 =	sshrl.u32 s7, $0x1;
	s6 =	sshll.u32 s8, $0x4  }
0xf: {  	s13 =	sshll.u32 s8, $0xF;
	s8 =	sshll.u32 s8, $0x7;
	s14 =	ssub.s32 s7, s9  }
0x10: {  	s7 =	sadd.s32 s3, s13;
	s16 =	sand.u32 $0x380, s8;
	s9 =	sshll.u32 s29, $0x11  }
0x11: {  	s8 =	sadd.s32 $0x3800, s3;
	s15 =	sor.u32 s15, s16;
	s16 =	sor.u32 s9, s16  }
0x12: {  	s9 =	sadd.s32 s13, s8;
	s14 =	smax.u32 s14, $0x1;
	s31 =	sshrl.u32 s16, $0x3  }
0x13: {  	s30 =	sshrl.u32 s15, $0x3;
	s15 =	simm.s32 $0x4;
	s12 =	sadd.s32 s12, s31  }
0x14: {  	s16 =	simm.s32 $0x80;
	s11 =	sadd.s32 s11, s30;
	s13 =	sadd.s32 $0x3800, s12  }
.LBB2_1:
0x15: {  	[tilespmem:s5], [sflag:$0x4] =	stream.linear.gather [hbm4b:s1+s5], $0x3800, $0x38;
	[tilespmem:$0x1FF00] =	vst v63  }
0x16: {  	_ =	swait.ge [sflag:s15], $0x3800  }
0x17: {  	[sflag:s15] =	ssyncset.done $0x0  }
0x18: {  	[sflag:s15] =	ssyncadd.s32 $0xFFFFC800  }
0x19: {  	[hbm4b:s7+s16] =	stream.strided.scatter [tilespmem:s18], [sflag:$0x1], $0x3800, s17, s16, $0x38;
	[tilespmem:$0x1FF00] =	vst v63  }
0x1a: {  	s25 =	simm.s32 $0x0  }
0x1b: {  	[hbm4b:s9+s16] =	stream.strided.scatter [tilespmem:s18], [sflag:$0x2], $0x800, s17, s16, $0x38;
	[tilespmem:$0x1FF00] =	vst v63  }
.LBB2_2:
0x1c: {  	s26 =	sadd.s32 s6, s25  }
0x1d: {  	s26 =	sshrl.u32 s26, $0x3  }
0x1e: {  	s28 =	sshll.u32 s25, $0x7;
	s29 =	smul.u32 $0xC3800, s26  }
0x1f: {  	s28 =	sand.u32 $0x380, s28  }
0x20: {  	s29 =	sor.u32 s28, s29  }
0x21: {  	s29 =	sshrl.u32 s29, $0x3  }
0x22: {  	s29 =	sadd.s32 s2, s29  }
0x23: {  	[tilespmem:s19], [sflag:$0x4] =	stream.strided.gather [hbm4b:s29+s16], $0x18700, s17, s16, $0x38;
	[tilespmem:$0x1FF00] =	vst v63  }
0x24: {  	_ =	swait.ge [sflag:s15], $0x18700  }
0x25: {  	[sflag:s15] =	ssyncset.done $0x0  }
0x26: {  	[sflag:s15] =	ssyncadd.s32 $0xFFFE7900  }
0x27: {  	_ =	swait.ge [sflag:s20], $0x3800  }
0x28: {  	[sflag:s20] =	ssyncset.done $0x0  }
0x29: {  	[sflag:s20] =	ssyncadd.s32 $0xFFFFC800  }
0x2a: {  	_ =	swait.ge [sflag:s21], $0x800  }
0x2b: {  	[sflag:s21] =	ssyncset.done $0x0  }
0x2c: {  	s29 =	simm.s32 $0x40;
	[sflag:s21] =	ssyncadd.s32 $0xFFFFF800  }
0x2d: {  	[tilespmem:s22], [sflag:$0x3] =	stream.linear.gather [hbm4b:s10+s5], $0x800, $0x38;
	[tilespmem:$0x1FF00] =	vst v63  }
0x2e: {  	v0 =	vld [tilespmem:s29+$0x30]  }
0x2f: {  	v1 =	vld [tilespmem:s29+$0xFFFFFFD0]  }
0x30: {  	v2 =	vld [tilespmem:s29+$0xFFFFFFE0]  }
0x31: {  	v3 =	vld [tilespmem:s29+$0xFFFFFFF0]  }
0x32: {  	v4 =	vld [tilespmem:s29+$0x0]  }
0x33: {  	v6 =	vld [tilespmem:s29+$0x10]  }
0x34: {  	v7 =	vld [tilespmem:s29+$0x20]  }
0x35: {  	v8 =	vld [tilespmem:s29+$0xFFFFFFC0]  }
0x36: {  	v9 =	vld.idx.msk [tilespmem:v0+s19+$0x0], $0xffff  }
0x37: {  	v10 =	vld.idx.msk [tilespmem:v1+s19+$0x0], $0xffff  }
0x38: {  	v5 =	vld.idx.msk [tilespmem:v2+s19+$0x0], $0xffff  }
0x39: {  	v3 =	vld.idx.msk [tilespmem:v3+s19+$0x0], $0xffff  }
0x3a: {  	v0 =	vld.idx.msk [tilespmem:v4+s19+$0x0], $0xffff  }
0x3b: {  	s29 =	simm.s32 $0x1C740;
	v1 =	vld.idx.msk [tilespmem:v6+s19+$0x0], $0xffff  }
0x3c: {  	v2 =	vld.idx.msk [tilespmem:v7+s19+$0x0], $0xffff;
	[tilespmem:s29+$0x30] =	vst v9  }
0x3d: {  	s30 =	simm.s32 $0x0;
	s31 =	simm.s32 $0xC0;
	v4 =	vld.idx.msk [tilespmem:v8+s19+$0x0], $0xffff;
	[tilespmem:s29+$0xFFFFFFD0] =	vst v10  }
.LBB2_3:
0x3e: {  	v6 =	vld [tilespmem:s31+$0x30];
	s30 =	sadd.s32 $0x80, s30;
	[tilespmem:s29+$0xFFFFFFE0] =	vst v5  }
0x3f: {  	v5 =	vld [tilespmem:s31+$0xFFFFFFD0];
	p0 =	slt.u32 s30, $0x3780;
	[tilespmem:s29+$0xFFFFFFF0] =	vst v3  }
0x40: {  	v3 =	vld [tilespmem:s31+$0xFFFFFFE0];
	[tilespmem:s29+$0x0] =	vst v0  }
0x41: {  	v0 =	vld [tilespmem:s31+$0xFFFFFFF0];
	[tilespmem:s29+$0x10] =	vst v1  }
0x42: {  	v1 =	vld [tilespmem:s31+$0x0];
	[tilespmem:s29+$0x20] =	vst v2  }
0x43: {  	v2 =	vld [tilespmem:s31+$0x10];
	[tilespmem:s29+$0xFFFFFFC0] =	vst v4  }
0x44: {  	v4 =	vld [tilespmem:s31+$0x20]  }
0x45: {  	v7 =	vld [tilespmem:s31+$0xFFFFFFC0]  }
0x46: {  	v6 =	vld.idx.msk [tilespmem:v6+s19+$0x0], $0xffff  }
0x47: {  	v8 =	vld.idx.msk [tilespmem:v5+s19+$0x0], $0xffff  }
0x48: {  	v5 =	vld.idx.msk [tilespmem:v3+s19+$0x0], $0xffff  }
.Ltmp0:
0x49: {  	v3 =	vld.idx.msk [tilespmem:v0+s19+$0x0], $0xffff;
	(pc) =	sbr.rel @p0 .LBB2_3-.Ltmp0, $4  }
0x4a: {  	v0 =	vld.idx.msk [tilespmem:v1+s19+$0x0], $0xffff  }
0x4b: {  	s29 =	sadd.s32 $0x80, s29;
	v1 =	vld.idx.msk [tilespmem:v2+s19+$0x0], $0xffff  }
0x4c: {  	v2 =	vld.idx.msk [tilespmem:v4+s19+$0x0], $0xffff;
	[tilespmem:s29+$0x30] =	vst v6  }
0x4d: {  	s31 =	sadd.s32 $0x80, s31;
	v4 =	vld.idx.msk [tilespmem:v7+s19+$0x0], $0xffff;
	[tilespmem:s29+$0xFFFFFFD0] =	vst v8  }
0x4e: {  	[tilespmem:s29+$0xFFFFFFE0] =	vst v5  }
0x4f: {  	[tilespmem:s29+$0xFFFFFFF0] =	vst v3  }
0x50: {  	[tilespmem:s29+$0x0] =	vst v0  }
0x51: {  	[tilespmem:s29+$0x10] =	vst v1  }
0x52: {  	[tilespmem:s29+$0x20] =	vst v2  }
0x53: {  	[tilespmem:s29+$0xFFFFFFC0] =	vst v4  }
0x54: {  	_ =	swait.ge [sflag:s23], $0x800  }
0x55: {  	[sflag:s23] =	ssyncset.done $0x0  }
0x56: {  	s29 =	simm.s32 $0x3840;
	[sflag:s23] =	ssyncadd.s32 $0xFFFFF800  }
0x57: {  	v0 =	vld [tilespmem:s29+$0x30]  }
0x58: {  	v1 =	vld [tilespmem:s29+$0xFFFFFFD0]  }
0x59: {  	v2 =	vld [tilespmem:s29+$0xFFFFFFE0]  }
0x5a: {  	v3 =	vld [tilespmem:s29+$0xFFFFFFF0]  }
0x5b: {  	v6 =	vld [tilespmem:s29+$0x0]  }
0x5c: {  	v7 =	vld [tilespmem:s29+$0x10]  }
0x5d: {  	v8 =	vld [tilespmem:s29+$0x20]  }
0x5e: {  	v9 =	vld [tilespmem:s29+$0xFFFFFFC0]  }
0x5f: {  	v10 =	vld.idx.msk [tilespmem:v0+s19+$0x0], $0xffff  }
0x60: {  	v11 =	vld.idx.msk [tilespmem:v1+s19+$0x0], $0xffff  }
0x61: {  	v5 =	vld.idx.msk [tilespmem:v2+s19+$0x0], $0xffff  }
0x62: {  	v4 =	vld.idx.msk [tilespmem:v3+s19+$0x0], $0xffff  }
0x63: {  	v3 =	vld.idx.msk [tilespmem:v6+s19+$0x0], $0xffff  }
0x64: {  	v2 =	vld.idx.msk [tilespmem:v7+s19+$0x0], $0xffff  }
0x65: {  	v0 =	vld.idx.msk [tilespmem:v8+s19+$0x0], $0xffff;
	[tilespmem:s29+$0x30] =	vst v10  }
0x66: {  	s30 =	simm.s32 $0x0;
	s31 =	simm.s32 $0x38C0;
	v1 =	vld.idx.msk [tilespmem:v9+s19+$0x0], $0xffff;
	[tilespmem:s29+$0xFFFFFFD0] =	vst v11  }
.LBB2_5:
0x67: {  	v6 =	vld [tilespmem:s31+$0x30];
	s30 =	sadd.s32 $0x80, s30;
	[tilespmem:s29+$0xFFFFFFE0] =	vst v5  }
0x68: {  	v5 =	vld [tilespmem:s31+$0xFFFFFFD0];
	p0 =	slt.u32 s30, $0x780;
	[tilespmem:s29+$0xFFFFFFF0] =	vst v4  }
0x69: {  	v4 =	vld [tilespmem:s31+$0xFFFFFFE0];
	[tilespmem:s29+$0x0] =	vst v3  }
0x6a: {  	v3 =	vld [tilespmem:s31+$0xFFFFFFF0];
	[tilespmem:s29+$0x10] =	vst v2  }
0x6b: {  	v2 =	vld [tilespmem:s31+$0x0];
	[tilespmem:s29+$0x20] =	vst v0  }
0x6c: {  	v0 =	vld [tilespmem:s31+$0x10];
	[tilespmem:s29+$0xFFFFFFC0] =	vst v1;
	s29 =	smov.u32 s31  }
0x6d: {  	v1 =	vld [tilespmem:s31+$0x20]  }
0x6e: {  	v7 =	vld [tilespmem:s31+$0xFFFFFFC0]  }
0x6f: {  	v6 =	vld.idx.msk [tilespmem:v6+s19+$0x0], $0xffff  }
0x70: {  	v8 =	vld.idx.msk [tilespmem:v5+s19+$0x0], $0xffff  }
0x71: {  	v5 =	vld.idx.msk [tilespmem:v4+s19+$0x0], $0xffff  }
.Ltmp1:
0x72: {  	v4 =	vld.idx.msk [tilespmem:v3+s19+$0x0], $0xffff;
	(pc) =	sbr.rel @p0 .LBB2_5-.Ltmp1, $4  }
0x73: {  	v3 =	vld.idx.msk [tilespmem:v2+s19+$0x0], $0xffff  }
0x74: {  	v2 =	vld.idx.msk [tilespmem:v0+s19+$0x0], $0xffff  }
0x75: {  	v0 =	vld.idx.msk [tilespmem:v1+s19+$0x0], $0xffff;
	[tilespmem:s31+$0x30] =	vst v6  }
0x76: {  	s31 =	sadd.s32 $0x80, s31;
	v1 =	vld.idx.msk [tilespmem:v7+s19+$0x0], $0xffff;
	[tilespmem:s29+$0xFFFFFFD0] =	vst v8  }
0x77: {  	[tilespmem:s29+$0xFFFFFFE0] =	vst v5  }
0x78: {  	[tilespmem:s29+$0xFFFFFFF0] =	vst v4  }
0x79: {  	s26 =	sshll.u32 s26, $0x11;
	s25 =	sadd.s32 $0x1, s25;
	[tilespmem:s29+$0x0] =	vst v3  }
0x7a: {  	s26 =	sor.u32 s28, s26;
	p0 =	sne.s32 s25, $0x10;
	[tilespmem:s29+$0x10] =	vst v2  }
.Ltmp2:
0x7b: {  	s26 =	sshrl.u32 s26, $0x3;
	[tilespmem:s29+$0x20] =	vst v0;
	(pc) =	sbr.rel @p0 .LBB2_2-.Ltmp2, $4  }
0x7c: {  	s31 =	sadd.s32 s3, s26;
	[tilespmem:s29+$0xFFFFFFC0] =	vst v1  }
0x7d: {  	[hbm4b:s31+s16] =	stream.strided.scatter [tilespmem:s18], [sflag:$0x1], $0x3800, s17, s16, $0x38;
	[tilespmem:$0x1FF00] =	vst v63  }
0x7e: {  	s26 =	sadd.s32 s26, s8  }
0x7f: {  	[hbm4b:s26+s16] =	stream.strided.scatter [tilespmem:s22], [sflag:$0x2], $0x800, s17, s16, $0x38;
	[tilespmem:$0x1FF00] =	vst v63  }
0x80: {  	[tilespmem:s19], [sflag:$0x4] =	stream.strided.gather [hbm4b:s11+s16], $0x18700, s17, s16, $0x38;
	[tilespmem:$0x1FF00] =	vst v63  }
0x81: {  	_ =	swait.ge [sflag:s15], $0x18700  }
0x82: {  	[sflag:s15] =	ssyncset.done $0x0  }
0x83: {  	[sflag:s15] =	ssyncadd.s32 $0xFFFE7900  }
0x84: {  	_ =	swait.ge [sflag:s20], $0x3800  }
0x85: {  	[sflag:s20] =	ssyncset.done $0x0  }
0x86: {  	[sflag:s20] =	ssyncadd.s32 $0xFFFFC800  }
0x87: {  	_ =	swait.ge [sflag:s21], $0x800  }
0x88: {  	[sflag:s21] =	ssyncset.done $0x0  }
0x89: {  	s25 =	simm.s32 $0x40;
	[sflag:s21] =	ssyncadd.s32 $0xFFFFF800  }
0x8a: {  	[tilespmem:s22], [sflag:$0x3] =	stream.linear.gather [hbm4b:s10+s5], $0x800, $0x38;
	[tilespmem:$0x1FF00] =	vst v63  }
0x8b: {  	v0 =	vld [tilespmem:s25+$0x30]  }
0x8c: {  	v1 =	vld [tilespmem:s25+$0xFFFFFFD0]  }
0x8d: {  	v2 =	vld [tilespmem:s25+$0xFFFFFFE0]  }
0x8e: {  	v3 =	vld [tilespmem:s25+$0xFFFFFFF0]  }
0x8f: {  	v4 =	vld [tilespmem:s25+$0x0]  }
0x90: {  	v6 =	vld [tilespmem:s25+$0x10]  }
0x91: {  	v7 =	vld [tilespmem:s25+$0x20]  }
0x92: {  	v8 =	vld [tilespmem:s25+$0xFFFFFFC0]  }
0x93: {  	v9 =	vld.idx.msk [tilespmem:v0+s19+$0x0], $0xffff  }
0x94: {  	v10 =	vld.idx.msk [tilespmem:v1+s19+$0x0], $0xffff  }
0x95: {  	v5 =	vld.idx.msk [tilespmem:v2+s19+$0x0], $0xffff  }
0x96: {  	v3 =	vld.idx.msk [tilespmem:v3+s19+$0x0], $0xffff  }
0x97: {  	v0 =	vld.idx.msk [tilespmem:v4+s19+$0x0], $0xffff  }
0x98: {  	s25 =	simm.s32 $0x1C740;
	v1 =	vld.idx.msk [tilespmem:v6+s19+$0x0], $0xffff  }
0x99: {  	v2 =	vld.idx.msk [tilespmem:v7+s19+$0x0], $0xffff;
	[tilespmem:s25+$0x30] =	vst v9  }
0x9a: {  	s26 =	simm.s32 $0x0;
	s28 =	simm.s32 $0xC0;
	v4 =	vld.idx.msk [tilespmem:v8+s19+$0x0], $0xffff;
	[tilespmem:s25+$0xFFFFFFD0] =	vst v10  }
.LBB2_8:
0x9b: {  	v6 =	vld [tilespmem:s28+$0x30];
	s26 =	sadd.s32 $0x80, s26;
	[tilespmem:s25+$0xFFFFFFE0] =	vst v5  }
0x9c: {  	v5 =	vld [tilespmem:s28+$0xFFFFFFD0];
	p0 =	slt.u32 s26, $0x3780;
	[tilespmem:s25+$0xFFFFFFF0] =	vst v3  }
0x9d: {  	v3 =	vld [tilespmem:s28+$0xFFFFFFE0];
	[tilespmem:s25+$0x0] =	vst v0  }
0x9e: {  	v0 =	vld [tilespmem:s28+$0xFFFFFFF0];
	[tilespmem:s25+$0x10] =	vst v1  }
0x9f: {  	v1 =	vld [tilespmem:s28+$0x0];
	[tilespmem:s25+$0x20] =	vst v2  }
0xa0: {  	v2 =	vld [tilespmem:s28+$0x10];
	[tilespmem:s25+$0xFFFFFFC0] =	vst v4  }
0xa1: {  	v4 =	vld [tilespmem:s28+$0x20]  }
0xa2: {  	v7 =	vld [tilespmem:s28+$0xFFFFFFC0]  }
0xa3: {  	v6 =	vld.idx.msk [tilespmem:v6+s19+$0x0], $0xffff  }
0xa4: {  	v8 =	vld.idx.msk [tilespmem:v5+s19+$0x0], $0xffff  }
0xa5: {  	v5 =	vld.idx.msk [tilespmem:v3+s19+$0x0], $0xffff  }
.Ltmp3:
0xa6: {  	v3 =	vld.idx.msk [tilespmem:v0+s19+$0x0], $0xffff;
	(pc) =	sbr.rel @p0 .LBB2_8-.Ltmp3, $4  }
0xa7: {  	v0 =	vld.idx.msk [tilespmem:v1+s19+$0x0], $0xffff  }
0xa8: {  	s25 =	sadd.s32 $0x80, s25;
	v1 =	vld.idx.msk [tilespmem:v2+s19+$0x0], $0xffff  }
0xa9: {  	v2 =	vld.idx.msk [tilespmem:v4+s19+$0x0], $0xffff;
	[tilespmem:s25+$0x30] =	vst v6  }
0xaa: {  	s28 =	sadd.s32 $0x80, s28;
	v4 =	vld.idx.msk [tilespmem:v7+s19+$0x0], $0xffff;
	[tilespmem:s25+$0xFFFFFFD0] =	vst v8  }
0xab: {  	[tilespmem:s25+$0xFFFFFFE0] =	vst v5  }
0xac: {  	[tilespmem:s25+$0xFFFFFFF0] =	vst v3  }
0xad: {  	[tilespmem:s25+$0x0] =	vst v0  }
0xae: {  	[tilespmem:s25+$0x10] =	vst v1  }
0xaf: {  	[tilespmem:s25+$0x20] =	vst v2  }
0xb0: {  	[tilespmem:s25+$0xFFFFFFC0] =	vst v4  }
0xb1: {  	_ =	swait.ge [sflag:s23], $0x800  }
0xb2: {  	[sflag:s23] =	ssyncset.done $0x0  }
0xb3: {  	s25 =	simm.s32 $0x3840;
	[sflag:s23] =	ssyncadd.s32 $0xFFFFF800  }
0xb4: {  	v0 =	vld [tilespmem:s25+$0x30]  }
0xb5: {  	v1 =	vld [tilespmem:s25+$0xFFFFFFD0]  }
0xb6: {  	v2 =	vld [tilespmem:s25+$0xFFFFFFE0]  }
0xb7: {  	v3 =	vld [tilespmem:s25+$0xFFFFFFF0]  }
0xb8: {  	v6 =	vld [tilespmem:s25+$0x0]  }
0xb9: {  	v7 =	vld [tilespmem:s25+$0x10]  }
0xba: {  	v8 =	vld [tilespmem:s25+$0x20]  }
0xbb: {  	v9 =	vld [tilespmem:s25+$0xFFFFFFC0]  }
0xbc: {  	v10 =	vld.idx.msk [tilespmem:v0+s19+$0x0], $0xffff  }
0xbd: {  	v11 =	vld.idx.msk [tilespmem:v1+s19+$0x0], $0xffff  }
0xbe: {  	v5 =	vld.idx.msk [tilespmem:v2+s19+$0x0], $0xffff  }
0xbf: {  	v4 =	vld.idx.msk [tilespmem:v3+s19+$0x0], $0xffff  }
0xc0: {  	v2 =	vld.idx.msk [tilespmem:v6+s19+$0x0], $0xffff  }
0xc1: {  	v1 =	vld.idx.msk [tilespmem:v7+s19+$0x0], $0xffff  }
0xc2: {  	v0 =	vld.idx.msk [tilespmem:v8+s19+$0x0], $0xffff;
	[tilespmem:s25+$0x30] =	vst v10  }
0xc3: {  	s26 =	simm.s32 $0x0;
	s28 =	simm.s32 $0x38C0;
	v3 =	vld.idx.msk [tilespmem:v9+s19+$0x0], $0xffff;
	[tilespmem:s25+$0xFFFFFFD0] =	vst v11  }
.LBB2_10:
0xc4: {  	v6 =	vld [tilespmem:s28+$0x30];
	s26 =	sadd.s32 $0x80, s26;
	[tilespmem:s25+$0xFFFFFFE0] =	vst v5  }
0xc5: {  	v5 =	vld [tilespmem:s28+$0xFFFFFFD0];
	p0 =	slt.u32 s26, $0x780;
	[tilespmem:s25+$0xFFFFFFF0] =	vst v4  }
0xc6: {  	v4 =	vld [tilespmem:s28+$0xFFFFFFE0];
	[tilespmem:s25+$0x0] =	vst v2  }
0xc7: {  	v2 =	vld [tilespmem:s28+$0xFFFFFFF0];
	[tilespmem:s25+$0x10] =	vst v1  }
0xc8: {  	v1 =	vld [tilespmem:s28+$0x0];
	[tilespmem:s25+$0x20] =	vst v0  }
0xc9: {  	v0 =	vld [tilespmem:s28+$0x10];
	[tilespmem:s25+$0xFFFFFFC0] =	vst v3;
	s25 =	smov.u32 s28  }
0xca: {  	v3 =	vld [tilespmem:s28+$0x20]  }
0xcb: {  	v7 =	vld [tilespmem:s28+$0xFFFFFFC0]  }
0xcc: {  	v6 =	vld.idx.msk [tilespmem:v6+s19+$0x0], $0xffff  }
0xcd: {  	v8 =	vld.idx.msk [tilespmem:v5+s19+$0x0], $0xffff  }
0xce: {  	v5 =	vld.idx.msk [tilespmem:v4+s19+$0x0], $0xffff  }
.Ltmp4:
0xcf: {  	v4 =	vld.idx.msk [tilespmem:v2+s19+$0x0], $0xffff;
	(pc) =	sbr.rel @p0 .LBB2_10-.Ltmp4, $4  }
0xd0: {  	v2 =	vld.idx.msk [tilespmem:v1+s19+$0x0], $0xffff  }
0xd1: {  	v1 =	vld.idx.msk [tilespmem:v0+s19+$0x0], $0xffff  }
0xd2: {  	v0 =	vld.idx.msk [tilespmem:v3+s19+$0x0], $0xffff;
	[tilespmem:s28+$0x30] =	vst v6  }
0xd3: {  	s28 =	sadd.s32 $0x80, s28;
	v3 =	vld.idx.msk [tilespmem:v7+s19+$0x0], $0xffff;
	[tilespmem:s25+$0xFFFFFFD0] =	vst v8  }
0xd4: {  	[tilespmem:s25+$0xFFFFFFE0] =	vst v5  }
0xd5: {  	[tilespmem:s25+$0xFFFFFFF0] =	vst v4  }
0xd6: {  	[tilespmem:s25+$0x0] =	vst v2  }
0xd7: {  	[tilespmem:s25+$0x10] =	vst v1  }
0xd8: {  	[tilespmem:s25+$0x20] =	vst v0  }
0xd9: {  	[tilespmem:s25+$0xFFFFFFC0] =	vst v3  }
0xda: {  	[hbm4b:s12+s16] =	stream.strided.scatter [tilespmem:s18], [sflag:$0x1], $0x3800, s17, s16, $0x38;
	[tilespmem:$0x1FF00] =	vst v63  }
0xdb: {  	s24 =	sadd.s32 $0x1, s24  }
0xdc: {  	[hbm4b:s13+s16] =	stream.strided.scatter [tilespmem:s22], [sflag:$0x2], $0x800, s17, s16, $0x38;
	[tilespmem:$0x1FF00] =	vst v63  }
0xdd: {  	p0 =	sne.s32 s24, s14;
	_ =	swait.ge [sflag:s20], $0x3800  }
.Ltmp5:
0xde: {  	[sflag:s20] =	ssyncset.done $0x0;
	(pc) =	sbr.rel @p0 .LBB2_1-.Ltmp5, $4  }
0xdf: {  	[sflag:s20] =	ssyncadd.s32 $0xFFFFC800  }
0xe0: {  	_ =	swait.ge [sflag:s21], $0x800  }
0xe1: {  	[sflag:s21] =	ssyncset.done $0x0  }
0xe2: {  	[sflag:s21] =	ssyncadd.s32 $0xFFFFF800  }
0xe3: {  	_ =	sfence.sel $0x180000  }
0xe4: {  	[bflag:$0x0] =	sbarrier.arrive $0xFFFF  }
0xe5: {  	p0 =	sne.s32 s4, $0x0;
	_ =	strace $0x90000047  }
0xe6: {  	s0 =	sadd.s32 @!p0 $0x100000, s0;
	[bflag:$0x2] =	sbarrier.arrive $0xFFFF  }
0xe7: {  	[sflag:s0] =	ssyncadd.tile.s32 @!p0 $0x1;
	_ =	shalt  }
.Lfunc_end2:
_tile_overlayer_lowered:
.L_overlay_start_2:
0xe8: {  	(tag) =	ssettag $0x2  }
0xe9: {  	s0 =	rddreg [dreg:$0x0];
	s2 =	stileid.u32  }
0xea: {  	s1 =	rddreg [dreg:$0x1];
	p0 =	sne.s32 s2, $0x0  }
0xeb: {  	s3 =	rddreg [dreg:$0x2];
	[bflag:$0x3] =	sbarrier.arrive $0xFFFF;
	s2 =	simm.s32 @!p0 $0x1C04  }
0xec: {  	[timem:s3], [sflag:s2] =	dma.local @!p0 [hbm:s0], s1  }
0xed: {  	s0 =	simm.s32 @!p0 $0x4  }
0xee: {  	_ =	swait.ge @!p0 [sflag:s0], s1  }
0xef: {  	s1 =	ssub.s32 @!p0 $0x0, s1;
	[sflag:s0] =	ssyncset.done @!p0 $0x0  }
0xf0: {  	[sflag:s0] =	ssyncadd.s32 @!p0 s1  }
0xf1: {  	[bflag:$0x3] =	sbarrier.arrive $0xFFFF  }
0xf2: {  	_ =	shalt  }

</sc_bundles>
